<compile_context>
chip_gen: v7x
topology: tpu7x:2x2x1
jax: 0.10.2.dev20260603
libtpu: 0.0.44.dev20260713+nightly
codegen_flags: <defaults>
</compile_context>

<pallas_src>
import functools
import jax
import jax.numpy as jnp
from jax import lax
from jax.experimental import pallas as pl
from jax.experimental.pallas import tpu as pltpu
from jax.experimental.pallas import tpu_sc as plsc

_VD = 128
_S = 200
_NW = 32
_T = 240
_B_SC = 384
_BB = 128


def _sc_body(ids_hbm, out_hbm, ids_v, buf_v, p1_v, p2_v):
    n_tok = ids_hbm.shape[0]
    per_w = n_tok // _NW
    n_chunks = per_w // _T
    wid = lax.axis_index("s") * 2 + lax.axis_index("c")
    base = wid * per_w
    pltpu.sync_copy(ids_hbm.at[pl.ds(base, per_w)], ids_v)

    def zero_step(i, c):
        buf_v[pl.ds(i * 16, 16)] = jnp.zeros((16,), jnp.float32)
        return c

    lax.fori_loop(0, _T * _VD // 16, zero_step, 0)

    lane = lax.iota(jnp.int32, 16)

    def chunk_body(c, carry):
        t0 = c * _T

        def step(j, cc):
            toff = j * 16
            ids16 = ids_v[pl.ds(t0 + toff, 16)]
            gtok = base + t0 + toff + lane
            pos = lax.rem(gtok, _S)
            idx1 = jnp.bitwise_and(ids16, _VD - 1)
            idx2 = jnp.bitwise_and(ids16 * 37 + pos * 11, _VD - 1)
            rowb = (toff + lane) * _VD
            p1 = rowb + idx1
            p2 = rowb + idx2
            plsc.store_scatter(buf_v, [p1], jnp.full((16,), 1.0, jnp.float32))
            plsc.addupdate_scatter(buf_v, [p2], jnp.full((16,), 0.5, jnp.float32))
            p1_v[pl.ds(toff, 16)] = p1
            p2_v[pl.ds(toff, 16)] = p2
            return cc

        lax.fori_loop(0, _T // 16, step, 0)
        pltpu.sync_copy(buf_v, out_hbm.at[pl.ds((base + t0) * _VD, _T * _VD)])

        def undo(j, cc):
            toff = j * 16
            z = jnp.zeros((16,), jnp.float32)
            plsc.store_scatter(buf_v, [p1_v[pl.ds(toff, 16)]], z)
            plsc.store_scatter(buf_v, [p2_v[pl.ds(toff, 16)]], z)
            return cc

        lax.fori_loop(0, _T // 16, undo, 0)
        return carry

    lax.fori_loop(0, n_chunks, chunk_body, 0)


def _sc_call(ids_flat):
    n_tok = ids_flat.shape[0]
    per_w = n_tok // _NW
    mesh = plsc.VectorSubcoreMesh(
        core_axis_name="c", subcore_axis_name="s", num_cores=2, num_subcores=16
    )
    body = functools.partial(
        pl.kernel,
        out_type=jax.ShapeDtypeStruct((n_tok * _VD,), jnp.float32),
        mesh=mesh,
        scratch_types=[
            pltpu.VMEM((per_w,), jnp.int32),
            pltpu.VMEM((_T * _VD,), jnp.float32),
            pltpu.VMEM((_T,), jnp.int32),
            pltpu.VMEM((_T,), jnp.int32),
        ],
        compiler_params=pltpu.CompilerParams(needs_layout_passes=False),
    )(_sc_body)
    return body(ids_flat)


def _tc_body(ids_ref, out_ref):
    ids = ids_ref[...]
    bb, s = ids.shape
    pos = lax.broadcasted_iota(jnp.int32, (bb, s), 1)
    idx1 = jnp.mod(ids, _VD)
    idx2 = jnp.mod(ids * 37 + pos * 11, _VD)
    packed = jnp.bitwise_or(idx1, jnp.left_shift(idx2, 8))
    pk = jnp.broadcast_to(packed[:, :, None], (bb, s, _VD))
    lane = lax.broadcasted_iota(jnp.int32, (bb, s, _VD), 2)
    eq1 = jnp.bitwise_and(pk, 0xFF) == lane
    eq2 = jnp.right_shift(pk, 8) == lane
    out = jnp.where(eq1, jnp.float32(1.0), jnp.float32(0.0))
    out = out + jnp.where(eq2, jnp.float32(0.5), jnp.float32(0.0))
    out_ref[...] = out


def _tc_call(ids):
    B, S = ids.shape
    grid = (B // _BB,)
    return pl.pallas_call(
        _tc_body,
        grid=grid,
        in_specs=[pl.BlockSpec((_BB, S), lambda i: (i, 0))],
        out_specs=pl.BlockSpec((_BB, S, _VD), lambda i: (i, 0, 0)),
        out_shape=jax.ShapeDtypeStruct((B, S, _VD), jnp.float32),
    )(ids)


def kernel(input_ids, attention_mask):
    del attention_mask
    B, S = input_ids.shape
    ids = input_ids.astype(jnp.int32)
    sc_flat = _sc_call(ids[:_B_SC].reshape(_B_SC * S))
    tc_out = _tc_call(ids[_B_SC:])
    return jnp.concatenate([sc_flat.reshape(_B_SC, S, _VD), tc_out], axis=0)

# --- scband reference (transcript-rebuilt; emitter-appended) ---
"""Pipeline reference for scband-fake-model-86354612453663 (READ-ONLY COPY).

The authoritative reference and input builder live on the scoring server;
editing this copy changes nothing except your own understanding.
"""

import jax, jax.numpy as jnp
import numpy as np

VECTOR_DIM = 128


def setup_inputs(seed: int = 0) -> dict:
    key = jax.random.key(seed)
    k1, _ = jax.random.split(key)
    input_ids = jax.random.randint(k1, (1024, 200), 0, 100000, dtype=jnp.int32)
    attention_mask = jnp.ones((1024, 200), dtype=jnp.float32)
    return {"input_ids": input_ids, "attention_mask": attention_mask}


def reference(input_ids, attention_mask):
    # attention_mask is ignored, matching the torch stub
    _ = attention_mask
    B, S = input_ids.shape
    ids = input_ids.astype(jnp.int32)
    pos = jnp.arange(S, dtype=jnp.int32)[None, :]
    idx1 = jnp.mod(ids, VECTOR_DIM)
    idx2 = jnp.mod(ids * 37 + pos * 11, VECTOR_DIM)
    b = jnp.arange(B, dtype=jnp.int32)[:, None]
    p = jnp.arange(S, dtype=jnp.int32)[None, :]
    hidden = jnp.zeros((B, S, VECTOR_DIM), dtype=jnp.float32)
    # scatter-add, faithful to torch's hidden[batch_ix, pos, idx] += val
    hidden = hidden.at[b, p, idx1].add(1.0)
    hidden = hidden.at[b, p, idx2].add(0.5)
    return hidden

if __name__ == "__main__":
    import jax
    _d = setup_inputs()
    print(jax.jit(kernel)(*tuple(_d.values())))

</pallas_src>

<mosaic_0001>
#map = affine_map<(d0, d1) -> (0)>
module attributes {stable_mosaic.version = 14 : i64} {
  func.func @_sc_body(%arg0: i32, %arg1: i32, %arg2: memref<76800xi32, #tpu.memory_space<hbm>>, %arg3: memref<9830400xf32, #tpu.memory_space<hbm>>, %arg4: memref<2400xi32, #tpu.memory_space<vmem>>, %arg5: memref<30720xf32, #tpu.memory_space<vmem>>, %arg6: memref<240xi32, #tpu.memory_space<vmem>>, %arg7: memref<240xi32, #tpu.memory_space<vmem>>) attributes {dimension_semantics = [#tpu.dimension_semantics<core_parallel>, #tpu.dimension_semantics<subcore_parallel>], iteration_bounds = array<i64: 2, 16>, scalar_prefetch = 0 : i64, scratch_operands = 4 : i64, tpu.core_type = #tpu.core_type<sc_vector_subcore>, window_params = [{transform_indices = #map}, {transform_indices = #map}]} {
    %mul3A = arith.constant 2 : i32
    %mul3A_0 = arith.muli %arg1, %mul3A : i32
    %add3A = arith.addi %mul3A_0, %arg0 : i32
    %mul3A_1 = arith.constant 2400 : i32
    %mul3A_2 = arith.muli %add3A, %mul3A_1 : i32
    "tpu.region"() ({
      %run_scoped3A = tpu.sem_alloc : memref<!tpu.dma_semaphore, #tpu.memory_space<semaphore_mem>>
      %dma_start3A = tpu.memref_slice %arg2[%mul3A_2] : memref<76800xi32, #tpu.memory_space<hbm>> -> memref<2400xi32, #tpu.memory_space<hbm>>
      %dma_start3A_14 = tpu.memref_slice %arg2[%mul3A_2] : memref<76800xi32, #tpu.memory_space<hbm>> -> memref<2400xi32, #tpu.memory_space<hbm>>
      tpu.enqueue_dma source(%dma_start3A_14 : memref<2400xi32, #tpu.memory_space<hbm>>) target(%arg4 : memref<2400xi32, #tpu.memory_space<vmem>>) target_semaphore(%run_scoped3A : memref<!tpu.dma_semaphore, #tpu.memory_space<semaphore_mem>>)
      %dma_wait3A = tpu.memref_slice %arg2[%mul3A_2] : memref<76800xi32, #tpu.memory_space<hbm>> -> memref<2400xi32, #tpu.memory_space<hbm>>
      %dma_wait3A_15 = tpu.memref_slice %arg2[%mul3A_2] : memref<76800xi32, #tpu.memory_space<hbm>> -> memref<2400xi32, #tpu.memory_space<hbm>>
      tpu.wait_dma2 semaphore(%run_scoped3A : memref<!tpu.dma_semaphore, #tpu.memory_space<semaphore_mem>>) src(%dma_wait3A_15 : memref<2400xi32, #tpu.memory_space<hbm>>) dst(%arg4 : memref<2400xi32, #tpu.memory_space<vmem>>)
      tpu.yield
    }) : () -> ()
    %scan3A = arith.constant 0 : i32
    %scan3A_3 = arith.constant 0 : i32
    %scan3A_4 = arith.constant 1920 : i32
    %scan3A_5 = arith.addi %scan3A_3, %scan3A_4 : i32
    %scan3A_6 = arith.constant 1 : i32
    scf.for %scan3A_14 = %scan3A_3 to %scan3A_5 step %scan3A_6  : i32 {
      %broadcast_in_dim3A = arith.constant 0.000000e+00 : f32
      %broadcast_in_dim3A_15 = vector.broadcast %broadcast_in_dim3A : f32 to vector<16xf32>
      %mul3A_16 = arith.constant 16 : i32
      %mul3A_17 = arith.muli %scan3A_14, %mul3A_16 : i32
      %swap3A = arith.index_cast %mul3A_17 : i32 to index
      %swap3A_18 = tpu.vector_load %arg5[%swap3A] {strides = array<i32>} : memref<30720xf32, #tpu.memory_space<vmem>>, vector<16xf32>,
      tpu.vector_store %arg5[%swap3A], %broadcast_in_dim3A_15 {strides = array<i32>} : memref<30720xf32, #tpu.memory_space<vmem>>, vector<16xf32>,
    }
    %scan3A_7 = arith.constant 1920 : i32
    %iota3A = tpu.iota {dimensions = array<i32: 0>} : vector<16xi32>
    %scan3A_8 = arith.constant 0 : i32
    %scan3A_9 = arith.constant 0 : i32
    %scan3A_10 = arith.constant 10 : i32
    %scan3A_11 = arith.addi %scan3A_9, %scan3A_10 : i32
    %scan3A_12 = arith.constant 1 : i32
    scf.for %scan3A_14 = %scan3A_9 to %scan3A_11 step %scan3A_12  : i32 {
      %mul3A_15 = arith.constant 240 : i32
      %mul3A_16 = arith.muli %scan3A_14, %mul3A_15 : i32
      %scan3A_17 = arith.constant 0 : i32
      %scan3A_18 = arith.constant 0 : i32
      %scan3A_19 = arith.constant 15 : i32
      %scan3A_20 = arith.addi %scan3A_18, %scan3A_19 : i32
      %scan3A_21 = arith.constant 1 : i32
      scf.for %scan3A_32 = %scan3A_18 to %scan3A_20 step %scan3A_21  : i32 {
        %mul3A_33 = arith.constant 16 : i32
        %mul3A_34 = arith.muli %scan3A_32, %mul3A_33 : i32
        %add3A_35 = arith.addi %mul3A_16, %mul3A_34 : i32
        %get3A = arith.index_cast %add3A_35 : i32 to index
        %get3A_36 = tpu.vector_load %arg4[%get3A] {strides = array<i32>} : memref<2400xi32, #tpu.memory_space<vmem>>, vector<16xi32>,
        %add3A_37 = arith.addi %mul3A_2, %mul3A_16 : i32
        %add3A_38 = arith.addi %add3A_37, %mul3A_34 : i32
        %add3A_39 = vector.broadcast %add3A_38 : i32 to vector<16xi32>
        %add3A_40 = arith.addi %add3A_39, %iota3A : vector<16xi32>
        %rem3A = arith.constant 200 : i32
        %rem3A_41 = vector.broadcast %rem3A : i32 to vector<16xi32>
        %rem3A_42 = arith.remsi %add3A_40, %rem3A_41 : vector<16xi32>
        %and3A = arith.constant 127 : i32
        %and3A_43 = vector.broadcast %and3A : i32 to vector<16xi32>
        %and3A_44 = arith.andi %get3A_36, %and3A_43 : vector<16xi32>
        %mul3A_45 = arith.constant 37 : i32
        %mul3A_46 = vector.broadcast %mul3A_45 : i32 to vector<16xi32>
        %mul3A_47 = arith.muli %get3A_36, %mul3A_46 : vector<16xi32>
        %mul3A_48 = arith.constant 11 : i32
        %mul3A_49 = vector.broadcast %mul3A_48 : i32 to vector<16xi32>
        %mul3A_50 = arith.muli %rem3A_42, %mul3A_49 : vector<16xi32>
        %add3A_51 = arith.addi %mul3A_47, %mul3A_50 : vector<16xi32>
        %and3A_52 = arith.constant 127 : i32
        %and3A_53 = vector.broadcast %and3A_52 : i32 to vector<16xi32>
        %and3A_54 = arith.andi %add3A_51, %and3A_53 : vector<16xi32>
        %add3A_55 = vector.broadcast %mul3A_34 : i32 to vector<16xi32>
        %add3A_56 = arith.addi %add3A_55, %iota3A : vector<16xi32>
        %mul3A_57 = arith.constant 128 : i32
        %mul3A_58 = vector.broadcast %mul3A_57 : i32 to vector<16xi32>
        %mul3A_59 = arith.muli %add3A_56, %mul3A_58 : vector<16xi32>
        %add3A_60 = arith.addi %mul3A_59, %and3A_44 : vector<16xi32>
        %add3A_61 = arith.addi %mul3A_59, %and3A_54 : vector<16xi32>
        %broadcast_in_dim3A = arith.constant 1.000000e+00 : f32
        %broadcast_in_dim3A_62 = vector.broadcast %broadcast_in_dim3A : f32 to vector<16xf32>
        tpu.vector_store_idx %arg5[%add3A_60], %broadcast_in_dim3A_62 : memref<30720xf32, #tpu.memory_space<vmem>>[vector<16xi32>], vector<16xf32>,
        %broadcast_in_dim3A_63 = arith.constant 5.000000e-01 : f32
        %broadcast_in_dim3A_64 = vector.broadcast %broadcast_in_dim3A_63 : f32 to vector<16xf32>
        tpu.vector_store_idx %arg5[%add3A_61], %broadcast_in_dim3A_64 {add = true} : memref<30720xf32, #tpu.memory_space<vmem>>[vector<16xi32>], vector<16xf32>,
        %swap3A = arith.index_cast %mul3A_34 : i32 to index
        %swap3A_65 = tpu.vector_load %arg6[%swap3A] {strides = array<i32>} : memref<240xi32, #tpu.memory_space<vmem>>, vector<16xi32>,
        tpu.vector_store %arg6[%swap3A], %add3A_60 {strides = array<i32>} : memref<240xi32, #tpu.memory_space<vmem>>, vector<16xi32>,
        %swap3A_66 = arith.index_cast %mul3A_34 : i32 to index
        %swap3A_67 = tpu.vector_load %arg7[%swap3A_66] {strides = array<i32>} : memref<240xi32, #tpu.memory_space<vmem>>, vector<16xi32>,
        tpu.vector_store %arg7[%swap3A_66], %add3A_61 {strides = array<i32>} : memref<240xi32, #tpu.memory_space<vmem>>, vector<16xi32>,
      }
      %scan3A_22 = arith.constant 15 : i32
      %add3A_23 = arith.addi %mul3A_2, %mul3A_16 : i32
      %mul3A_24 = arith.constant 128 : i32
      %mul3A_25 = arith.muli %add3A_23, %mul3A_24 : i32
      "tpu.region"() ({
        %run_scoped3A = tpu.sem_alloc : memref<!tpu.dma_semaphore, #tpu.memory_space<semaphore_mem>>
        %dma_start3A = tpu.memref_slice %arg3[%mul3A_25] : memref<9830400xf32, #tpu.memory_space<hbm>> -> memref<30720xf32, #tpu.memory_space<hbm>>
        %dma_start3A_32 = tpu.memref_slice %arg3[%mul3A_25] : memref<9830400xf32, #tpu.memory_space<hbm>> -> memref<30720xf32, #tpu.memory_space<hbm>>
        tpu.enqueue_dma source(%arg5 : memref<30720xf32, #tpu.memory_space<vmem>>) target(%dma_start3A_32 : memref<30720xf32, #tpu.memory_space<hbm>>) target_semaphore(%run_scoped3A : memref<!tpu.dma_semaphore, #tpu.memory_space<semaphore_mem>>)
        %dma_wait3A = tpu.memref_slice %arg3[%mul3A_25] : memref<9830400xf32, #tpu.memory_space<hbm>> -> memref<30720xf32, #tpu.memory_space<hbm>>
        %dma_wait3A_33 = tpu.memref_slice %arg3[%mul3A_25] : memref<9830400xf32, #tpu.memory_space<hbm>> -> memref<30720xf32, #tpu.memory_space<hbm>>
        tpu.wait_dma2 semaphore(%run_scoped3A : memref<!tpu.dma_semaphore, #tpu.memory_space<semaphore_mem>>) src(%arg5 : memref<30720xf32, #tpu.memory_space<vmem>>) dst(%dma_wait3A_33 : memref<30720xf32, #tpu.memory_space<hbm>>)
        tpu.yield
      }) : () -> ()
      %scan3A_26 = arith.constant 0 : i32
      %scan3A_27 = arith.constant 0 : i32
      %scan3A_28 = arith.constant 15 : i32
      %scan3A_29 = arith.addi %scan3A_27, %scan3A_28 : i32
      %scan3A_30 = arith.constant 1 : i32
      scf.for %scan3A_32 = %scan3A_27 to %scan3A_29 step %scan3A_30  : i32 {
        %mul3A_33 = arith.constant 16 : i32
        %mul3A_34 = arith.muli %scan3A_32, %mul3A_33 : i32
        %broadcast_in_dim3A = arith.constant 0.000000e+00 : f32
        %broadcast_in_dim3A_35 = vector.broadcast %broadcast_in_dim3A : f32 to vector<16xf32>
        %get3A = arith.index_cast %mul3A_34 : i32 to index
        %get3A_36 = tpu.vector_load %arg6[%get3A] {strides = array<i32>} : memref<240xi32, #tpu.memory_space<vmem>>, vector<16xi32>,
        tpu.vector_store_idx %arg5[%get3A_36], %broadcast_in_dim3A_35 : memref<30720xf32, #tpu.memory_space<vmem>>[vector<16xi32>], vector<16xf32>,
        %get3A_37 = arith.index_cast %mul3A_34 : i32 to index
        %get3A_38 = tpu.vector_load %arg7[%get3A_37] {strides = array<i32>} : memref<240xi32, #tpu.memory_space<vmem>>, vector<16xi32>,
        tpu.vector_store_idx %arg5[%get3A_38], %broadcast_in_dim3A_35 : memref<30720xf32, #tpu.memory_space<vmem>>[vector<16xi32>], vector<16xf32>,
      }
      %scan3A_31 = arith.constant 15 : i32
    }
    %scan3A_13 = arith.constant 10 : i32
    return
  }
}

module attributes {stable_mosaic.version = 14 : i64} {
  func.func @_tc_body(%arg0: i32, %arg1: memref<128x200xi32, #tpu.memory_space<vmem>>, %arg2: memref<128x200x128xf32, #tpu.memory_space<vmem>>) attributes {dimension_semantics = [#tpu.dimension_semantics<arbitrary>], iteration_bounds = array<i64: 5>, scalar_prefetch = 0 : i64, scratch_operands = 0 : i64, tpu.core_type = #tpu.core_type<tc>, window_params = [{transform_indices = @transform_0, window_bounds = array<i64: 128, 200>}, {transform_indices = @transform_1, window_bounds = array<i64: 128, 200, 128>}]} {
    %get3A = arith.constant 0 : index
    %get3A_0 = arith.constant 0 : index
    %get3A_1 = vector.load %arg1[%get3A, %get3A_0] : memref<128x200xi32, #tpu.memory_space<vmem>>, vector<128x200xi32>
    %iota3A = tpu.iota {dimensions = array<i32: 1>} : vector<128x200xi32>
    %jit3A = arith.constant 128 : i32
    %eq3A = arith.constant 0 : i32
    %eq3A_2 = arith.cmpi eq, %jit3A, %eq3A : i32
    %jit3A_3 = arith.constant 1 : i32
    %select_n3A = arith.select %eq3A_2, %jit3A_3, %jit3A : i32
    %rem3A = vector.broadcast %select_n3A : i32 to vector<128x200xi32>
    %rem3A_4 = arith.remsi %get3A_1, %rem3A : vector<128x200xi32>
    %ne3A = arith.constant 0 : i32
    %ne3A_5 = vector.broadcast %ne3A : i32 to vector<128x200xi32>
    %ne3A_6 = arith.cmpi ne, %rem3A_4, %ne3A_5 : vector<128x200xi32>
    %lt3A = arith.constant 0 : i32
    %lt3A_7 = vector.broadcast %lt3A : i32 to vector<128x200xi32>
    %lt3A_8 = arith.cmpi slt, %rem3A_4, %lt3A_7 : vector<128x200xi32>
    %lt3A_9 = arith.constant 0 : i32
    %lt3A_10 = arith.cmpi slt, %select_n3A, %lt3A_9 : i32
    %ne3A_11 = vector.broadcast %lt3A_10 : i1 to vector<128x200xi1>
    %ne3A_12 = vector.broadcast %ne3A_11 : vector<128x200xi1> to vector<128x200xi1>
    %ne3A_13 = arith.xori %lt3A_8, %ne3A_12 : vector<128x200xi1>
    %and3A = arith.andi %ne3A_13, %ne3A_6 : vector<128x200xi1>
    %add3A = vector.broadcast %select_n3A : i32 to vector<128x200xi32>
    %add3A_14 = arith.addi %rem3A_4, %add3A : vector<128x200xi32>
    %select_n3A_15 = arith.select %and3A, %add3A_14, %rem3A_4 : vector<128x200xi1>, vector<128x200xi32>
    %mul3A = arith.constant 37 : i32
    %mul3A_16 = vector.broadcast %mul3A : i32 to vector<128x200xi32>
    %mul3A_17 = arith.muli %get3A_1, %mul3A_16 : vector<128x200xi32>
    %mul3A_18 = arith.constant 11 : i32
    %mul3A_19 = vector.broadcast %mul3A_18 : i32 to vector<128x200xi32>
    %mul3A_20 = arith.muli %iota3A, %mul3A_19 : vector<128x200xi32>
    %add3A_21 = arith.addi %mul3A_17, %mul3A_20 : vector<128x200xi32>
    %jit3A_22 = arith.constant 128 : i32
    %eq3A_23 = arith.constant 0 : i32
    %eq3A_24 = arith.cmpi eq, %jit3A_22, %eq3A_23 : i32
    %jit3A_25 = arith.constant 1 : i32
    %select_n3A_26 = arith.select %eq3A_24, %jit3A_25, %jit3A_22 : i32
    %rem3A_27 = vector.broadcast %select_n3A_26 : i32 to vector<128x200xi32>
    %rem3A_28 = arith.remsi %add3A_21, %rem3A_27 : vector<128x200xi32>
    %ne3A_29 = arith.constant 0 : i32
    %ne3A_30 = vector.broadcast %ne3A_29 : i32 to vector<128x200xi32>
    %ne3A_31 = arith.cmpi ne, %rem3A_28, %ne3A_30 : vector<128x200xi32>
    %lt3A_32 = arith.constant 0 : i32
    %lt3A_33 = vector.broadcast %lt3A_32 : i32 to vector<128x200xi32>
    %lt3A_34 = arith.cmpi slt, %rem3A_28, %lt3A_33 : vector<128x200xi32>
    %lt3A_35 = arith.constant 0 : i32
    %lt3A_36 = arith.cmpi slt, %select_n3A_26, %lt3A_35 : i32
    %ne3A_37 = vector.broadcast %lt3A_36 : i1 to vector<128x200xi1>
    %ne3A_38 = vector.broadcast %ne3A_37 : vector<128x200xi1> to vector<128x200xi1>
    %ne3A_39 = arith.xori %lt3A_34, %ne3A_38 : vector<128x200xi1>
    %and3A_40 = arith.andi %ne3A_39, %ne3A_31 : vector<128x200xi1>
    %add3A_41 = vector.broadcast %select_n3A_26 : i32 to vector<128x200xi32>
    %add3A_42 = arith.addi %rem3A_28, %add3A_41 : vector<128x200xi32>
    %select_n3A_43 = arith.select %and3A_40, %add3A_42, %rem3A_28 : vector<128x200xi1>, vector<128x200xi32>
    %shift_left3A = arith.constant 8 : i32
    %shift_left3A_44 = vector.broadcast %shift_left3A : i32 to vector<128x200xi32>
    %shift_left3A_45 = arith.shli %select_n3A_43, %shift_left3A_44 : vector<128x200xi32>
    %or3A = arith.ori %select_n3A_15, %shift_left3A_45 : vector<128x200xi32>
    %broadcast_in_dim3A = vector.shape_cast %or3A : vector<128x200xi32> to vector<128x200x1xi32>
    %broadcast_in_dim3A_46 = vector.shape_cast %broadcast_in_dim3A : vector<128x200x1xi32> to vector<128x200x1xi32>
    %broadcast_in_dim3A_47 = vector.broadcast %broadcast_in_dim3A_46 : vector<128x200x1xi32> to vector<128x200x128xi32>
    %iota3A_48 = tpu.iota {dimensions = array<i32: 2>} : vector<128x200x128xi32>
    %and3A_49 = arith.constant 255 : i32
    %and3A_50 = vector.broadcast %and3A_49 : i32 to vector<128x200x128xi32>
    %and3A_51 = arith.andi %broadcast_in_dim3A_47, %and3A_50 : vector<128x200x128xi32>
    %eq3A_52 = arith.cmpi eq, %and3A_51, %iota3A_48 : vector<128x200x128xi32>
    %shift_right_arithmetic3A = arith.constant 8 : i32
    %shift_right_arithmetic3A_53 = vector.broadcast %shift_right_arithmetic3A : i32 to vector<128x200x128xi32>
    %shift_right_arithmetic3A_54 = arith.shrsi %broadcast_in_dim3A_47, %shift_right_arithmetic3A_53 : vector<128x200x128xi32>
    %eq3A_55 = arith.cmpi eq, %shift_right_arithmetic3A_54, %iota3A_48 : vector<128x200x128xi32>
    %jit3A_56 = arith.constant 1.000000e+00 : f32
    %jit3A_57 = arith.constant 0.000000e+00 : f32
    %broadcast_in_dim3A_58 = vector.broadcast %jit3A_56 : f32 to vector<128x200x128xf32>
    %broadcast_in_dim3A_59 = vector.broadcast %jit3A_57 : f32 to vector<128x200x128xf32>
    %select_n3A_60 = arith.select %eq3A_52, %broadcast_in_dim3A_58, %broadcast_in_dim3A_59 : vector<128x200x128xi1>, vector<128x200x128xf32>
    %jit3A_61 = arith.constant 5.000000e-01 : f32
    %jit3A_62 = arith.constant 0.000000e+00 : f32
    %broadcast_in_dim3A_63 = vector.broadcast %jit3A_61 : f32 to vector<128x200x128xf32>
    %broadcast_in_dim3A_64 = vector.broadcast %jit3A_62 : f32 to vector<128x200x128xf32>
    %select_n3A_65 = arith.select %eq3A_55, %broadcast_in_dim3A_63, %broadcast_in_dim3A_64 : vector<128x200x128xi1>, vector<128x200x128xf32>
    %add3A_66 = arith.addf %select_n3A_60, %select_n3A_65 : vector<128x200x128xf32>
    %swap3A = arith.constant 0 : index
    %swap3A_67 = arith.constant 0 : index
    %swap3A_68 = arith.constant 0 : index
    %swap3A_69 = vector.load %arg2[%swap3A, %swap3A_67, %swap3A_68] : memref<128x200x128xf32, #tpu.memory_space<vmem>>, vector<128x200x128xf32>
    tpu.vector_store %arg2[%swap3A, %swap3A_67, %swap3A_68], %add3A_66 {strides = array<i32>} : memref<128x200x128xf32, #tpu.memory_space<vmem>>, vector<128x200x128xf32>,
    return
  }
  func.func @transform_0(%arg0: i32) -> (i32, i32) {
    %c0_i32 = arith.constant 0 : i32
    %c0_i32_0 = arith.constant 0 : i32
    return %arg0, %c0_i32 : i32, i32
  }
  func.func @transform_1(%arg0: i32) -> (i32, i32, i32) {
    %c0_i32 = arith.constant 0 : i32
    %c0_i32_0 = arith.constant 0 : i32
    %c0_i32_1 = arith.constant 0 : i32
    return %arg0, %c0_i32, %c0_i32_0 : i32, i32, i32
  }
}

</mosaic_0001>

<sc_bundles>
// kernel: kernel.4.cloned.1.call-start
scs
__scs_entry_jumppad:
0x0: {  	(pc) =	sbr.rel $0x88, $3  }
0x1: {  	(tag) =	ssettag $0x0;
	lr =	simm.s32 $0x1  }
0x2: {  	[smem:$0x3FA0] =	sst lr;
	_ =	strace $0xD0000000  }
0x3: {  	_ = 	snop  }
0x4: {  	_ = 	snop  }
0x5: {  	_ = 	snop  }
0x6: {  	_ = 	snop  }
0x7: {  	_ = 	snop  }
__scs_overlays_trampoline_lowered:
0x8: {  	[smem:$0x3FAF] =	sst s0  }
0x9: {  	[smem:$0x3FB0] =	sst s1  }
0xa: {  	[smem:$0x3FB1] =	sst s2  }
0xb: {  	[smem:$0x3FB2] =	sst s3  }
0xc: {  	[smem:$0x3FB3] =	sst s4  }
0xd: {  	[smem:$0x3FB4] =	sst s5  }
0xe: {  	[smem:$0x3FB5] =	sst s6  }
0xf: {  	[smem:$0x3FB6] =	sst s7  }
0x10: {  	[smem:$0x3FB7] =	sst s8  }
0x11: {  	[smem:$0x3FB8] =	sst s9;
	s0 =	simm.s32 @!p0 $0x0  }
0x12: {  	s1 =	sld [smem:$0x3F9E];
	s0 =	simm.s32 @p0 $0x1  }
0x13: {  	[smem:$0x3FB9] =	sst s0;
	s0 =	simm.s32 @!p1 $0x0  }
0x14: {  	s2 =	sld [smem:$0x3F9D];
	s0 =	simm.s32 @p1 $0x1  }
0x15: {  	[smem:$0x3FBA] =	sst s0;
	s0 =	simm.s32 @!p2 $0x0  }
0x16: {  	s3 =	sld [smem:$0x3FDB];
	s0 =	simm.s32 @p2 $0x1  }
0x17: {  	s4 =	simm.s32 $0x1BF5;
	[smem:$0x3FBC] =	sst s0  }
0x18: {  	s0 =	sld [smem:$0x3F9F];
	_ =	swait.ge [sflag:s4], $0x0  }
0x19: {  	s7 =	sld [smem:$0x3FA0]  }
0x1a: {  	s8 =	sadd.s32 $0xFFFFE003, lr  }
0x1b: {  	s9 =	sadd.s32 $0xFFFFFEF7, lr;
	s5 =	simm.s32 $0xFFFFFFFF;
	p2 =	slt.u32 s8, $0xFFFFF086  }
0x1c: {  	p1 =	slt.u32 s9, $0xF7A;
	s5 =	simm.s32 @!p2 $0x0  }
0x1d: {  	s5 =	simm.s32 @p1 $0x1;
	p0 =	seq.s32 s7, s2  }
0x1e: {  	s7 =	smul.u32 @!p0 $0xF7A, s2;
	p2 =	seq.s32 @!p0 s5, $0x0  }
0x1f: {  	s9 =	smul.u32 $0xF7A, s1;
	s8 =	simm.s32 @!p0 $0x1BF5;
	p2 =	por !p2, p0  }
0x20: {  	[sflag:s8] =	ssyncset.s32 @!p0 $0xFFFFF086;
	s6 =	sadd.s32 @!p0 s3, s7;
	s7 =	simm.s32 @!p0 $0x108  }
0x21: {  	s3 =	sadd.s32 s3, s9;
	s6 =	sadd.s32 @!p0 $0x88, s6;
	s7 =	simm.s32 @p2 $0x1082  }
0x22: {  	[simem:s7], [sflag:s8] =	dma.local @!p0 [hbm:s6], $0xF7A  }
0x23: {  	s9 =	sor.u32 $0xD0000000, s2;
	s6 =	simm.s32 $0x108;
	_ =	swait.ge @!p0 [sflag:s8], $0x0  }
0x24: {  	s3 =	sadd.s32 $0x88, s3;
	s6 =	simm.s32 @!p1 $0x1082;
	[sflag:s4] =	ssyncset.s32 $0xFFFFF086  }
0x25: {  	[simem:s6], [sflag:s4] =	dma.local [hbm:s3], $0xF7A  }
0x26: {  	[smem:$0x3FA0] =	sst s1;
	(tag) =	ssettag s2;
	_ =	strace s9  }
0x27: {  	s1 =	sld [smem:$0x3FB0]  }
0x28: {  	s2 =	sld [smem:$0x3FB1]  }
0x29: {  	s4 =	sld [smem:$0x3FB3]  }
0x2a: {  	p0 =	seq.s32 s5, $0x0;
	s5 =	sld [smem:$0x3FB4]  }
0x2b: {  	s6 =	sld [smem:$0x3FB5]  }
0x2c: {  	s7 =	sld [smem:$0x3FB6]  }
0x2d: {  	s3 =	simm.s32 $0x108;
	s8 =	sld [smem:$0x3FB7]  }
0x2e: {  	s3 =	simm.s32 @!p0 $0x1082;
	s9 =	sld [smem:$0x3FB8]  }
0x2f: {  	lr =	sadd.s32 s0, s3;
	s0 =	sld [smem:$0x3FAF]  }
0x30: {  	s3 =	sld [smem:$0x3FB2]  }
0x31: {  	[smem:$0x3FBB] =	sst s10  }
0x32: {  	s10 =	sld [smem:$0x3FB9];
	_ =	sdelay $0x3  }
0x33: {  	p0 =	seq.s32 s10, $0x1;
	s10 =	sld [smem:$0x3FBB];
	_ =	sdelay $0x3  }
0x34: {  	[smem:$0x3FBB] =	sst s10  }
0x35: {  	s10 =	sld [smem:$0x3FBA];
	_ =	sdelay $0x3  }
0x36: {  	p1 =	seq.s32 s10, $0x1;
	s10 =	sld [smem:$0x3FBB];
	_ =	sdelay $0x3  }
0x37: {  	[smem:$0x3FBB] =	sst s10  }
0x38: {  	s10 =	sld [smem:$0x3FBC]  }
0x39: {  	_ = 	snop;
	(pc) =	sbr.ind lr, $3  }
0x3a: {  	_ = 	snop  }
0x3b: {  	_ = 	snop  }
0x3c: {  	p2 =	seq.s32 s10, $0x1;
	s10 =	sld [smem:$0x3FBB]  }
0x3d: {  	_ =	shalt  }
0x3e: {  	_ =	shalt  }
0x3f: {  	_ =	shalt  }
0x40: {  	_ =	shalt  }
0x41: {  	_ =	shalt  }
0x42: {  	_ =	shalt  }
0x43: {  	_ =	shalt  }
0x44: {  	_ =	shalt  }
0x45: {  	_ =	shalt  }
0x46: {  	_ =	shalt  }
0x47: {  	_ =	shalt  }
0x48: {  	_ =	shalt  }
0x49: {  	_ =	shalt  }
0x4a: {  	_ =	shalt  }
0x4b: {  	_ =	shalt  }
0x4c: {  	_ =	shalt  }
0x4d: {  	_ =	shalt  }
0x4e: {  	_ =	shalt  }
0x4f: {  	_ =	shalt  }
0x50: {  	_ =	shalt  }
0x51: {  	_ =	shalt  }
0x52: {  	_ =	shalt  }
0x53: {  	_ =	shalt  }
0x54: {  	_ =	shalt  }
0x55: {  	_ =	shalt  }
0x56: {  	_ =	shalt  }
0x57: {  	_ =	shalt  }
0x58: {  	_ =	shalt  }
0x59: {  	_ =	shalt  }
0x5a: {  	_ =	shalt  }
0x5b: {  	_ =	shalt  }
0x5c: {  	_ =	shalt  }
0x5d: {  	_ =	shalt  }
0x5e: {  	_ =	shalt  }
0x5f: {  	_ =	shalt  }
0x60: {  	_ =	shalt  }
0x61: {  	_ =	shalt  }
0x62: {  	_ =	shalt  }
0x63: {  	_ =	shalt  }
0x64: {  	_ =	shalt  }
0x65: {  	_ =	shalt  }
0x66: {  	_ =	shalt  }
0x67: {  	_ =	shalt  }
0x68: {  	_ =	shalt  }
0x69: {  	_ =	shalt  }
0x6a: {  	_ =	shalt  }
0x6b: {  	_ =	shalt  }
0x6c: {  	_ =	shalt  }
0x6d: {  	_ =	shalt  }
0x6e: {  	_ =	shalt  }
0x6f: {  	_ =	shalt  }
0x70: {  	_ =	shalt  }
0x71: {  	_ =	shalt  }
0x72: {  	_ =	shalt  }
0x73: {  	_ =	shalt  }
0x74: {  	_ =	shalt  }
0x75: {  	_ =	shalt  }
0x76: {  	_ =	shalt  }
0x77: {  	_ =	shalt  }
0x78: {  	_ =	shalt  }
0x79: {  	_ =	shalt  }
0x7a: {  	_ =	shalt  }
0x7b: {  	_ =	shalt  }
0x7c: {  	_ =	shalt  }
0x7d: {  	_ =	shalt  }
0x7e: {  	_ =	shalt  }
0x7f: {  	_ =	shalt  }
0x80: {  	_ =	shalt  }
0x81: {  	_ =	shalt  }
0x82: {  	_ =	shalt  }
0x83: {  	_ =	shalt  }
0x84: {  	_ =	shalt  }
0x85: {  	_ =	shalt  }
0x86: {  	_ =	shalt  }
0x87: {  	_ =	shalt  }
.Lfunc_end0:
.L_simem_size_0:
called_computation_lowered:
.L_overlay_start_0:
0x88: {  	s2 =	sld [smem:$0x3FD9]  }
0x89: {  	s3 =	sld [smem:$0x3FFE];
	_ =	sdelay $0x1  }
0x8a: {  	s1 =	srdreg.scid  }
0x8b: {  	s0 =	sand.u32 $0x1, s1  }
0x8c: {  	s17 =	sshll.u32 s0, $0xA;
	s2 =	sadd.s32 s3, s2  }
0x8d: {  	s2 =	sadd.s32 s2, s17  }
0x8e: {  	[smem:$0x3FC7] =	sst s2  }
0x8f: {  	_ = 	snop  }
0x90: {  	s2 =	sld [smem:$0x3FD0];
	(tm) =	ssettm $0x1  }
0x91: {  	s18 =	sld [smem:$0x3FFB];
	_ =	sdelay $0x3  }
0x92: {  	_ =	strace s18  }
0x93: {  	s3 =	sld [smem:$0x3FFC];
	_ =	sdelay $0x3  }
0x94: {  	_ =	strace s3  }
0x95: {  	s3 =	sld [smem:$0x3FFD];
	_ =	sdelay $0x3  }
0x96: {  	_ =	strace s3  }
0x97: {  	_ =	strace $0x8FFFFFFF  }
0x98: {  	s19 =	sld [smem:$0x3FDB];
	_ =	sdelay $0x1  }
0x99: {  	s4 =	simm.s32 $_scs_section_size  }
0x9a: {  	s5 =	simm.s32 $_size__tile_overlayer_lowered;
	s6 =	simm.s32 $_tile_overlayer_lowered  }
0x9b: {  	s22 =	simm.s32 $0x1BFF;
	s21 =	sshll.u32 s6, $0x1;
	s3 =	sadd.s32 s4, s19  }
0x9c: {  	s7 =	simm.s32 $0x0;
	s20 =	sshll.u32 s5, $0x1;
	s5 =	sadd.s32 s21, s3  }
0x9d: {  	[timem:s7], [sflag:s22] =	dma.local [hbm:s5], s20  }
0x9e: {  	_ =	swait.ge [sflag:s22], s20  }
0x9f: {  	s4 =	ssub.s32 $0x0, s20;
	[sflag:s22] =	ssyncset.done $0x0  }
0xa0: {  	[sflag:s22] =	ssyncadd.s32 s4;
	_ =	sdelay $0x1  }
0xa1: {  	s23 =	simm.s32 $0x1B8B  }
0xa2: {  	_ =	swait.ge [sflag:s23], $0x1  }
0xa3: {  	[sflag:s23] =	ssyncset.done $0x0  }
0xa4: {  	s25 =	simm.s32 $0x1B8E;
	s24 =	sld [smem:$0x3FFE];
	[sflag:s23] =	ssyncadd.s32 $0xFFFFFFFF  }
0xa5: {  	s26 =	simm.s32 $execute0_lowered;
	[smem:$0x3FD2] =	sst s25  }
0xa6: {  	s5 =	sshll.u32 s26, $0x1;
	_ =	strace $0x80000046;
	[dreg:$0x1] =	wrdreg $0xFFFFFFFF  }
0xa7: {  	s28 =	simm.s32 $_size_execute0_lowered;
	s3 =	sadd.s32 s3, s5;
	[dreg:$0x0] =	wrdreg $0x0  }
0xa8: {  	s5 =	sshll.u32 s28, $0x1;
	[dreg:$0x2] =	wrdreg s3  }
0xa9: {  	[dreg:$0x3] =	wrdreg s5  }
0xaa: {  	[dreg:$0x4] =	wrdreg $0xC0  }
0xab: {  	_ =	task [dreg:s7], $0x5FFFF  }
0xac: {  	[dreg:$0x1] =	wrdreg $0xFFFFFFFF  }
0xad: {  	[dreg:$0x0] =	wrdreg $0x60  }
0xae: {  	[dreg:$0x2] =	wrdreg s2  }
0xaf: {  	[dreg:$0x3] =	wrdreg s24  }
0xb0: {  	[dreg:$0x4] =	wrdreg $0x9  }
0xb1: {  	_ =	task.clear_ibuf [dreg:s7], $0x5FFFF;
	_ =	strace $0x90000046  }
0xb2: {  	s29 =	simm.s32 $0x9;
	_ =	strace $0x80000048  }
0xb3: {  	_ =	swait.ge [sflag:s29], $0x1  }
0xb4: {  	[sflag:s29] =	ssyncadd.s32 $0xFFFFFFFF  }
0xb5: {  	_ =	strace $0x90000048  }
0xb6: {  	_ =	sfence  }
0xb7: {  	s30 =	sld [smem:$0x0];
	_ =	sdelay $0x2  }
0xb8: {  	s31 =	sshll.u32 s1, $0xD;
	s1 =	sshrl.u32 s1, $0x2  }
0xb9: {  	s3 =	sand.u32 $0x4000, s31;
	s1 =	sadd.s32 s1, s30  }
0xba: {  	s0 =	sor.u32 s3, s0;
	s1 =	sshll.u32 s1, $0x11  }
0xbb: {  	s0 =	sor.u32 s1, s0  }
0xbc: {  	s0 =	sadd.s32 $0x8F2B, s0  }
0xbd: {  	[sflag:s0] =	ssyncadd.remote.s32 $0x1  }
0xbe: {  	_ =	sfence.sel $0xFFFF  }
0xbf: {  	[dreg:$0x0] =	wrdreg $0xFFFFFFFF;
	(pc) =	sbr.abs _section_cstart, $3  }
0xc0: {  	[dreg:$0x1] =	wrdreg $0xFFFFFFFF  }
0xc1: {  	_ =	task.clear_ibuf [dreg:s7], $0x2FFFF;
	_ =	strace $0x9FFFFFFF  }
0xc2: {  	(tm) =	ssettm $0x7FFFFFFF  }
0xc3: {  	_ =	shalt  }
tec
execute0_lowered:
.L_overlay_start_1:
0x0: {  	(tag) =	ssettag $0x1  }
0x1: {  	s1 =	srdreg.scid;
	s5 =	rddreg [dreg:$0x0]  }
0x2: {  	s0 =	stileid.u32;
	s6 =	rddreg [dreg:$0x1]  }
0x3: {  	s2 =	simm.s32 $0x0;
	s4 =	sand.u32 $0x1, s1;
	s1 =	rddreg [dreg:$0x2]  }
0x4: {  	s29 =	sshll.u32 s0, $0x1;
	[smem:$0x7FF] =	sst s2;
	s8 =	smul.u32 $0x12C0, s0  }
0x5: {  	s3 =	sor.u32 s4, s29;
	s7 =	ssub.s32 $0x2, s4;
	s10 =	smul.u32 $0x960, s4  }
0x6: {  	_ =	strace $0x80000047;
	s3 =	smul.u32 $0x960, s3;
	s9 =	sshrl.u32 s7, $0x1  }
0x7: {  	s4 =	sadd.s32 $0x800, s6;
	s30 =	ssub.s32 s7, s9;
	s7 =	sadd.s32 s10, s8  }
0x8: {  	v0 =	vimm.f32 $0.0e+00;
	v1 =	vlaneseq.u32;
	s8 =	simm.s32 $0x1;
	s9 =	simm.s32 $0x980;
	s31 =	sshrl.u32 s3, $0x3  }
0x9: {  	v3 =	vimm.f32 $1.000000000e+00;
	v4 =	vimm.f32 $5.000000000e-01;
	v2 =	vmul.u32 $0x80, v1;
	s10 =	simm.s32 $0x0;
	s6 =	smax.u32 s30, $0x1;
	s5 =	sadd.s32 s5, s31  }
.LBB2_1:
0xa: {  	[tilespmem:s2], [sflag:$0x1] =	stream.linear.gather [hbm4b:s5+s2], $0x960, $0x38;
	[tilespmem:$0x8380] =	vst v63  }
0xb: {  	_ =	swait.ge [sflag:s8], $0x960  }
0xc: {  	[sflag:s8] =	ssyncset.done $0x0  }
0xd: {  	s11 =	simm.s32 $0x40;
	s12 =	simm.s32 $0x0;
	[sflag:s8] =	ssyncadd.s32 $0xFFFFF6A0  }
.LBB2_2:
0xe: {  	p0 =	sne.s32 s11, $0x1DFC0;
	[tilespmem:s12+$0x980] =	vst v0;
	s12 =	smov.u32 s11;
	s11 =	sadd.s32 $0x40, s11  }
.Ltmp0:
0xf: {  	(pc) =	sbr.rel @p0 .LBB2_2-.Ltmp0, $2  }
0x10: {  	_ =	sdelay $0x2  }
0x11: {  	s12 =	sshra.s32 s12, $0x2  }
0x12: {  	s11 =	simm.s32 $0x0  }
0x13: {  	[tilespmem:s12+$0x980] =	vst v0;
	s12 =	smov.u32 s7;
	s13 =	simm.s32 $0x0;
	s14 =	simm.s32 $0x0  }
.LBB2_4:
0x14: {  	s15 =	sadd.s32 $0x0, s12  }
0x15: {  	v5 =	vor.u32 s15, v1  }
0x16: {  	v6 =	vmulhi.u32 $0x51EB851F, v5  }
0x17: {  	v7 =	vld [tilespmem:s13+$0x0]  }
0x18: {  	v6 =	vshrl.u32 v6, $0x6  }
0x19: {  	v6 =	vmul.u32 $0xC8, v6;
	_ =	sdelay $0x1  }
0x1a: {  	v5 =	vsub.s32 v5, v6  }
0x1b: {  	v8 =	vmul.u32 $0x25, v7;
	v6 =	vmov s11;
	v5 =	vmul.u32 $0xB, v5  }
0x1c: {  	v6 =	vshll.u32 v6, $0x7  }
0x1d: {  	v7 =	vand.u32 $0x7F, v7;
	v6 =	vor.u32 v2, v6;
	v5 =	vadd.s32 v5, v8  }
0x1e: {  	v7 =	vor.u32 v6, v7;
	v5 =	vand.u32 $0x7F, v5  }
0x1f: {  	v5 =	vor.u32 v6, v5;
	_ =	sdelay $0x3  }
0x20: {  	s31 =	smul.u32 $0xF0, s14;
	s17 =	simm.s32 $0x8180;
	[tilespmem:v7+s9+$0x0] =	vst.idx.msk $0xffff, v3  }
0x21: {  	s16 =	simm.s32 $0x8280;
	s19 =	sadd.s32 $0x10, s12;
	s18 =	simm.s32 $0x10;
	[tilespmem:v5+s9+$0x0] =	vst.idx.add.f32.msk $0xffff, v4  }
0x22: {  	s20 =	simm.s32 $0x20;
	s15 =	sadd.s32 s3, s31;
	v6 =	vor.u32 s19, v1;
	s19 =	sadd.s32 $0x10, s13;
	[tilespmem:s17+$0x0] =	vst v7  }
.LBB2_5:
0x23: {  	s17 =	sadd.s32 $0x10, s17  }
0x24: {  	v7 =	vmulhi.u32 $0x51EB851F, v6;
	[tilespmem:s16+$0x0] =	vst v5;
	s16 =	sadd.s32 $0x10, s16;
	s21 =	smov.u32 s20;
	s22 =	sadd.s32 $0x10, s20  }
0x25: {  	p0 =	sne.s32 s20, $0xE0;
	v5 =	vld [tilespmem:s19+$0x0]  }
0x26: {  	v7 =	vshrl.u32 v7, $0x6  }
0x27: {  	v7 =	vmul.u32 $0xC8, v7;
	_ =	sdelay $0x1  }
0x28: {  	v6 =	vsub.s32 v6, v7;
	v7 =	vmov s18;
	s18 =	smov.u32 s21  }
0x29: {  	v8 =	vand.u32 $0x7F, v5;
	v5 =	vmul.u32 $0x25, v5;
	v6 =	vmul.u32 $0xB, v6  }
0x2a: {  	v7 =	vshll.u32 v7, $0x7  }
0x2b: {  	v5 =	vadd.s32 v6, v5;
	v6 =	vor.u32 v2, v7  }
0x2c: {  	v5 =	vand.u32 $0x7F, v5;
	v7 =	vor.u32 v6, v8  }
0x2d: {  	v5 =	vor.u32 v6, v5;
	_ =	sdelay $0x1  }
.Ltmp1:
0x2e: {  	(pc) =	sbr.rel @p0 .LBB2_5-.Ltmp1, $4  }
0x2f: {  	_ = 	snop  }
0x30: {  	[tilespmem:v7+s9+$0x0] =	vst.idx.msk $0xffff, v3  }
0x31: {  	s20 =	sadd.s32 s18, s12;
	[tilespmem:v5+s9+$0x0] =	vst.idx.add.f32.msk $0xffff, v4  }
0x32: {  	s19 =	sadd.s32 $0x10, s19;
	v6 =	vor.u32 s20, v1;
	s20 =	smov.u32 s22;
	[tilespmem:s17+$0x0] =	vst v7  }
0x33: {  	v7 =	vmulhi.u32 $0x51EB851F, v6;
	[tilespmem:s16+$0x0] =	vst v5  }
0x34: {  	v5 =	vld [tilespmem:s19+$0x0]  }
0x35: {  	v7 =	vshrl.u32 v7, $0x6  }
0x36: {  	v7 =	vmul.u32 $0xC8, v7;
	_ =	sdelay $0x1  }
0x37: {  	v6 =	vsub.s32 v6, v7  }
0x38: {  	v7 =	vmov s18;
	v8 =	vmul.u32 $0x25, v5;
	v6 =	vmul.u32 $0xB, v6  }
0x39: {  	v7 =	vshll.u32 v7, $0x7  }
0x3a: {  	v5 =	vand.u32 $0x7F, v5;
	v7 =	vor.u32 v2, v7;
	v6 =	vadd.s32 v6, v8  }
0x3b: {  	v5 =	vor.u32 v7, v5;
	v6 =	vand.u32 $0x7F, v6  }
0x3c: {  	v6 =	vor.u32 v7, v6;
	_ =	sdelay $0x3  }
0x3d: {  	[tilespmem:v5+s9+$0x0] =	vst.idx.msk $0xffff, v3  }
0x3e: {  	s17 =	sadd.s32 $0x10, s17;
	[tilespmem:v6+s9+$0x0] =	vst.idx.add.f32.msk $0xffff, v4  }
0x3f: {  	s31 =	sadd.s32 $0x10, s16;
	s15 =	sshll.u32 s15, $0x4;
	[tilespmem:s17+$0x0] =	vst v5  }
0x40: {  	s15 =	sadd.s32 s4, s15;
	[tilespmem:s31+$0x0] =	vst v6  }
0x41: {  	[hbm4b:s15+s2] =	stream.linear.scatter [tilespmem:s9], [sflag:$0x1], $0x7800, $0x38;
	[tilespmem:$0x8380] =	vst v63  }
0x42: {  	_ =	swait.ge [sflag:s8], $0x7800  }
0x43: {  	[sflag:s8] =	ssyncset.done $0x0  }
0x44: {  	[sflag:s8] =	ssyncadd.s32 $0xFFFF8800  }
0x45: {  	v5 =	vld [tilespmem:$0x8180];
	_ =	sdelay $0x7  }
0x46: {  	[tilespmem:v5+s9+$0x0] =	vst.idx.msk $0xffff, v0  }
0x47: {  	v5 =	vld [tilespmem:$0x8280];
	_ =	sdelay $0x7  }
0x48: {  	[tilespmem:v5+s9+$0x0] =	vst.idx.msk $0xffff, v0  }
0x49: {  	v5 =	vld [tilespmem:$0x8190];
	_ =	sdelay $0x7  }
0x4a: {  	[tilespmem:v5+s9+$0x0] =	vst.idx.msk $0xffff, v0  }
0x4b: {  	v5 =	vld [tilespmem:$0x8290];
	_ =	sdelay $0x7  }
0x4c: {  	[tilespmem:v5+s9+$0x0] =	vst.idx.msk $0xffff, v0  }
0x4d: {  	v5 =	vld [tilespmem:$0x81A0];
	_ =	sdelay $0x7  }
0x4e: {  	[tilespmem:v5+s9+$0x0] =	vst.idx.msk $0xffff, v0  }
0x4f: {  	v5 =	vld [tilespmem:$0x82A0];
	_ =	sdelay $0x7  }
0x50: {  	[tilespmem:v5+s9+$0x0] =	vst.idx.msk $0xffff, v0  }
0x51: {  	v5 =	vld [tilespmem:$0x81B0];
	_ =	sdelay $0x7  }
0x52: {  	[tilespmem:v5+s9+$0x0] =	vst.idx.msk $0xffff, v0  }
0x53: {  	v5 =	vld [tilespmem:$0x82B0];
	_ =	sdelay $0x7  }
0x54: {  	[tilespmem:v5+s9+$0x0] =	vst.idx.msk $0xffff, v0  }
0x55: {  	v5 =	vld [tilespmem:$0x81C0];
	_ =	sdelay $0x7  }
0x56: {  	[tilespmem:v5+s9+$0x0] =	vst.idx.msk $0xffff, v0  }
0x57: {  	v5 =	vld [tilespmem:$0x82C0];
	_ =	sdelay $0x7  }
0x58: {  	[tilespmem:v5+s9+$0x0] =	vst.idx.msk $0xffff, v0  }
0x59: {  	v5 =	vld [tilespmem:$0x81D0];
	_ =	sdelay $0x7  }
0x5a: {  	[tilespmem:v5+s9+$0x0] =	vst.idx.msk $0xffff, v0  }
0x5b: {  	v5 =	vld [tilespmem:$0x82D0];
	_ =	sdelay $0x7  }
0x5c: {  	[tilespmem:v5+s9+$0x0] =	vst.idx.msk $0xffff, v0  }
0x5d: {  	v5 =	vld [tilespmem:$0x81E0];
	_ =	sdelay $0x7  }
0x5e: {  	[tilespmem:v5+s9+$0x0] =	vst.idx.msk $0xffff, v0  }
0x5f: {  	v5 =	vld [tilespmem:$0x82E0];
	_ =	sdelay $0x7  }
0x60: {  	[tilespmem:v5+s9+$0x0] =	vst.idx.msk $0xffff, v0  }
0x61: {  	v5 =	vld [tilespmem:$0x81F0];
	_ =	sdelay $0x7  }
0x62: {  	[tilespmem:v5+s9+$0x0] =	vst.idx.msk $0xffff, v0  }
0x63: {  	v5 =	vld [tilespmem:$0x82F0];
	_ =	sdelay $0x7  }
0x64: {  	[tilespmem:v5+s9+$0x0] =	vst.idx.msk $0xffff, v0  }
0x65: {  	v5 =	vld [tilespmem:$0x8200];
	_ =	sdelay $0x7  }
0x66: {  	[tilespmem:v5+s9+$0x0] =	vst.idx.msk $0xffff, v0  }
0x67: {  	v5 =	vld [tilespmem:$0x8300];
	_ =	sdelay $0x7  }
0x68: {  	[tilespmem:v5+s9+$0x0] =	vst.idx.msk $0xffff, v0  }
0x69: {  	v5 =	vld [tilespmem:$0x8210];
	_ =	sdelay $0x7  }
0x6a: {  	[tilespmem:v5+s9+$0x0] =	vst.idx.msk $0xffff, v0  }
0x6b: {  	v5 =	vld [tilespmem:$0x8310];
	_ =	sdelay $0x7  }
0x6c: {  	[tilespmem:v5+s9+$0x0] =	vst.idx.msk $0xffff, v0  }
0x6d: {  	v5 =	vld [tilespmem:$0x8220];
	_ =	sdelay $0x7  }
0x6e: {  	[tilespmem:v5+s9+$0x0] =	vst.idx.msk $0xffff, v0  }
0x6f: {  	v5 =	vld [tilespmem:$0x8320];
	_ =	sdelay $0x7  }
0x70: {  	[tilespmem:v5+s9+$0x0] =	vst.idx.msk $0xffff, v0  }
0x71: {  	v5 =	vld [tilespmem:$0x8230];
	_ =	sdelay $0x7  }
0x72: {  	[tilespmem:v5+s9+$0x0] =	vst.idx.msk $0xffff, v0  }
0x73: {  	v5 =	vld [tilespmem:$0x8330];
	_ =	sdelay $0x7  }
0x74: {  	[tilespmem:v5+s9+$0x0] =	vst.idx.msk $0xffff, v0  }
0x75: {  	v5 =	vld [tilespmem:$0x8240];
	_ =	sdelay $0x7  }
0x76: {  	[tilespmem:v5+s9+$0x0] =	vst.idx.msk $0xffff, v0  }
0x77: {  	v5 =	vld [tilespmem:$0x8340];
	_ =	sdelay $0x7  }
0x78: {  	[tilespmem:v5+s9+$0x0] =	vst.idx.msk $0xffff, v0  }
0x79: {  	v5 =	vld [tilespmem:$0x8250];
	_ =	sdelay $0x7  }
0x7a: {  	[tilespmem:v5+s9+$0x0] =	vst.idx.msk $0xffff, v0  }
0x7b: {  	v5 =	vld [tilespmem:$0x8350];
	_ =	sdelay $0x7  }
0x7c: {  	[tilespmem:v5+s9+$0x0] =	vst.idx.msk $0xffff, v0  }
0x7d: {  	v5 =	vld [tilespmem:$0x8260];
	_ =	sdelay $0x7  }
0x7e: {  	[tilespmem:v5+s9+$0x0] =	vst.idx.msk $0xffff, v0  }
0x7f: {  	v5 =	vld [tilespmem:$0x8360];
	_ =	sdelay $0x1  }
0x80: {  	s14 =	sadd.s32 $0x1, s14  }
0x81: {  	p0 =	sne.s32 s14, $0xA  }
.Ltmp2:
0x82: {  	_ = 	snop;
	(pc) =	sbr.rel @p0 .LBB2_4-.Ltmp2, $2  }
0x83: {  	_ =	sdelay $0x2  }
0x84: {  	s13 =	sadd.s32 $0xF0, s13;
	s12 =	sadd.s32 $0xF0, s12;
	[tilespmem:v5+s9+$0x0] =	vst.idx.msk $0xffff, v0  }
0x85: {  	s10 =	sadd.s32 $0x1, s10  }
0x86: {  	p0 =	sne.s32 s10, s6  }
.Ltmp3:
0x87: {  	_ = 	snop;
	(pc) =	sbr.rel @p0 .LBB2_1-.Ltmp3, $1  }
0x88: {  	_ =	sdelay $0x3  }
0x89: {  	_ =	sfence.sel $0x180000  }
0x8a: {  	[bflag:$0x0] =	sbarrier.arrive $0xFFFF  }
0x8b: {  	p0 =	sne.s32 s0, $0x0;
	_ =	strace $0x90000047  }
0x8c: {  	s0 =	sadd.s32 @!p0 $0x100000, s1;
	[bflag:$0x2] =	sbarrier.arrive $0xFFFF  }
0x8d: {  	[sflag:s0] =	ssyncadd.tile.s32 @!p0 $0x1;
	_ =	shalt  }
.Lfunc_end2:
_tile_overlayer_lowered:
.L_overlay_start_2:
0x8e: {  	(tag) =	ssettag $0x2  }
0x8f: {  	s0 =	rddreg [dreg:$0x0];
	s2 =	stileid.u32  }
0x90: {  	s1 =	rddreg [dreg:$0x1];
	p0 =	sne.s32 s2, $0x0  }
0x91: {  	s3 =	rddreg [dreg:$0x2];
	[bflag:$0x3] =	sbarrier.arrive $0xFFFF;
	s2 =	simm.s32 @!p0 $0x1C01  }
0x92: {  	[timem:s3], [sflag:s2] =	dma.local @!p0 [hbm:s0], s1  }
0x93: {  	s0 =	simm.s32 @!p0 $0x1  }
0x94: {  	_ =	swait.ge @!p0 [sflag:s0], s1  }
0x95: {  	s1 =	ssub.s32 @!p0 $0x0, s1;
	[sflag:s0] =	ssyncset.done @!p0 $0x0  }
0x96: {  	[sflag:s0] =	ssyncadd.s32 @!p0 s1  }
0x97: {  	[bflag:$0x3] =	sbarrier.arrive $0xFFFF  }
0x98: {  	_ =	shalt  }

</sc_bundles>
